<compile_context>
chip_gen: v7x
topology: tpu7x:2x2x1
jax: 0.10.2.dev20260603
libtpu: 0.0.44.dev20260713+nightly
codegen_flags: <defaults>
</compile_context>

<pallas_src>
import functools

import jax
import jax.numpy as jnp
from jax import lax
from jax.experimental import pallas as pl
from jax.experimental.pallas import tpu as pltpu
from jax.experimental.pallas import tpu_sc as plsc

N_ROWS = 8192
DIM = 256
NC = 2
NS = 16
L = 16
NW = NC * NS
RPW = N_ROWS // NW
KS = DIM // L
NG = RPW // L

_BIG = 3.0e38
_IMAX = 2147483647


def _sc_body(x_hbm, w_hbm, outd_hbm, outi_hbm, x_v, buf, rbuf, d_v, i_v):
    cid = lax.axis_index("c")
    sid = lax.axis_index("s")
    wid = sid * NC + cid
    base = wid * RPW

    pltpu.sync_copy(x_hbm, x_v)

    xv = [x_v[pl.ds(k * L, L)] for k in range(KS)]
    lane = lax.iota(jnp.int32, L)

    if True:
        d_v[...] = jnp.zeros((L,), jnp.float32) + xv[0]
        i_v[...] = lane
        pltpu.sync_copy(d_v, outd_hbm.at[wid])
        pltpu.sync_copy(i_v, outi_hbm.at[wid])
        return

    def group(g, carry):
        best_d, best_i = carry
        dist = jnp.zeros((L,), jnp.float32)
        for r in range(L):
            row = g * L + r
            acc = None
            for k in range(KS):
                wv = buf[row, pl.ds(k * L, L)]
                dlt = xv[k] - wv
                acc = dlt * dlt if acc is None else acc + dlt * dlt
            for sh in (8, 4, 2, 1):
                rbuf[r, pl.ds(0, L)] = acc
                rbuf[r, pl.ds(L, L)] = acc
                acc = acc + rbuf[r, pl.ds(sh, L)]
            dist = jnp.where(lane == r, acc, dist)
        ridx = base + g * L + lane
        m = dist < best_d
        best_d = jnp.where(m, dist, best_d)
        best_i = jnp.where(m, ridx, best_i)
        return best_d, best_i

    init = (jnp.full((L,), _BIG, jnp.float32), jnp.zeros((L,), jnp.int32))
    best_d, best_i = lax.fori_loop(0, NG, group, init)
    d_v[...] = best_d
    i_v[...] = best_i
    pltpu.sync_copy(d_v, outd_hbm.at[wid])
    pltpu.sync_copy(i_v, outi_hbm.at[wid])


_sc_call = functools.partial(
    pl.kernel,
    out_type=(
        jax.ShapeDtypeStruct((NW, L), jnp.float32),
        jax.ShapeDtypeStruct((NW, L), jnp.int32),
    ),
    mesh=plsc.VectorSubcoreMesh(core_axis_name="c", subcore_axis_name="s"),
    scratch_types=[
        pltpu.VMEM((DIM,), jnp.float32),
        pltpu.VMEM((RPW, DIM), jnp.float32),
        pltpu.VMEM((L, 2 * L), jnp.float32),
        pltpu.VMEM((L,), jnp.float32),
        pltpu.VMEM((L,), jnp.int32),
    ],
)(_sc_body)


def _merge_body(d_ref, i_ref, o_ref):
    d = d_ref[...]
    i = i_ref[...]
    dmin = jnp.min(d)
    o_ref[0] = jnp.min(jnp.where(d == dmin, i, jnp.int32(_IMAX)))


def _merge_call(dists, idxs):
    return pl.pallas_call(
        _merge_body,
        out_shape=jax.ShapeDtypeStruct((1,), jnp.int32),
        out_specs=pl.BlockSpec(memory_space=pltpu.SMEM),
    )(dists, idxs)


def kernel(x, weights):
    dists, idxs = _sc_call(x, weights)
    return _merge_call(dists, idxs)[0]

# --- scband reference (transcript-rebuilt; emitter-appended) ---
"""Pipeline reference for scband-ksom-4939212391247 (READ-ONLY COPY).

The authoritative reference and input builder live on the scoring server;
editing this copy changes nothing except your own understanding.
"""

import jax, jax.numpy as jnp
import numpy as np

INPUT_DIM = 8192
OUTPUT_DIM = 256

def setup_inputs(seed: int = 0) -> dict:
    key = jax.random.key(seed)
    k1, k2 = jax.random.split(key)
    x = jax.random.normal(k1, (OUTPUT_DIM,), dtype=jnp.float32)
    weights = jax.random.normal(k2, (INPUT_DIM, OUTPUT_DIM), dtype=jnp.float32)
    return {"x": x, "weights": weights}

def reference(x, weights):
    # distances = torch.sum((x - self.weights) ** 2, axis=1)
    # x: [output_dim], weights: [input_dim, output_dim] -> broadcast -> [input_dim, output_dim]
    distances = jnp.sum((x - weights) ** 2, axis=1)  # [input_dim]
    winner = jnp.argmin(distances)  # scalar index of best-matching unit
    return winner

if __name__ == "__main__":
    import jax
    _d = setup_inputs()
    print(jax.jit(kernel)(*tuple(_d.values())))

</pallas_src>

<mosaic_0001>
#map = affine_map<(d0, d1) -> (0)>
#map1 = affine_map<(d0, d1) -> (0, 0)>
module attributes {stable_mosaic.version = 14 : i64} {
  func.func @_sc_body(%arg0: i32, %arg1: i32, %arg2: memref<256xf32, #tpu.memory_space<hbm>>, %arg3: memref<8192x256xf32, #tpu.memory_space<hbm>>, %arg4: memref<32x16xf32, #tpu.memory_space<hbm>>, %arg5: memref<32x16xi32, #tpu.memory_space<hbm>>, %arg6: memref<256xf32, #tpu.memory_space<vmem>>, %arg7: memref<256x256xf32, #tpu.memory_space<vmem>>, %arg8: memref<16x32xf32, #tpu.memory_space<vmem>>, %arg9: memref<16xf32, #tpu.memory_space<vmem>>, %arg10: memref<16xi32, #tpu.memory_space<vmem>>) attributes {dimension_semantics = [#tpu.dimension_semantics<core_parallel>, #tpu.dimension_semantics<subcore_parallel>], iteration_bounds = array<i64: 2, 16>, scalar_prefetch = 0 : i64, scratch_operands = 5 : i64, tpu.core_type = #tpu.core_type<sc_vector_subcore>, window_params = [{transform_indices = #map}, {transform_indices = #map1}, {transform_indices = #map1}, {transform_indices = #map1}]} {
    %mul3A = arith.constant 2 : i32
    %mul3A_0 = arith.muli %arg1, %mul3A : i32
    %add3A = arith.addi %mul3A_0, %arg0 : i32
    %mul3A_1 = arith.constant 256 : i32
    %mul3A_2 = arith.muli %add3A, %mul3A_1 : i32
    "tpu.region"() ({
      %run_scoped3A = tpu.sem_alloc : memref<!tpu.dma_semaphore, #tpu.memory_space<semaphore_mem>>
      tpu.enqueue_dma source(%arg2 : memref<256xf32, #tpu.memory_space<hbm>>) target(%arg6 : memref<256xf32, #tpu.memory_space<vmem>>) target_semaphore(%run_scoped3A : memref<!tpu.dma_semaphore, #tpu.memory_space<semaphore_mem>>)
      tpu.wait_dma2 semaphore(%run_scoped3A : memref<!tpu.dma_semaphore, #tpu.memory_space<semaphore_mem>>) src(%arg2 : memref<256xf32, #tpu.memory_space<hbm>>) dst(%arg6 : memref<256xf32, #tpu.memory_space<vmem>>)
      tpu.yield
    }) : () -> ()
    %get3A = arith.constant 0 : index
    %get3A_3 = tpu.vector_load %arg6[%get3A] {strides = array<i32>} : memref<256xf32, #tpu.memory_space<vmem>>, vector<16xf32>,
    %get3A_4 = vector.shape_cast %get3A_3 : vector<16xf32> to vector<16xf32>
    %get3A_5 = arith.constant 16 : index
    %get3A_6 = tpu.vector_load %arg6[%get3A_5] {strides = array<i32>} : memref<256xf32, #tpu.memory_space<vmem>>, vector<16xf32>,
    %get3A_7 = vector.shape_cast %get3A_6 : vector<16xf32> to vector<16xf32>
    %get3A_8 = arith.constant 32 : index
    %get3A_9 = tpu.vector_load %arg6[%get3A_8] {strides = array<i32>} : memref<256xf32, #tpu.memory_space<vmem>>, vector<16xf32>,
    %get3A_10 = vector.shape_cast %get3A_9 : vector<16xf32> to vector<16xf32>
    %get3A_11 = arith.constant 48 : index
    %get3A_12 = tpu.vector_load %arg6[%get3A_11] {strides = array<i32>} : memref<256xf32, #tpu.memory_space<vmem>>, vector<16xf32>,
    %get3A_13 = vector.shape_cast %get3A_12 : vector<16xf32> to vector<16xf32>
    %get3A_14 = arith.constant 64 : index
    %get3A_15 = tpu.vector_load %arg6[%get3A_14] {strides = array<i32>} : memref<256xf32, #tpu.memory_space<vmem>>, vector<16xf32>,
    %get3A_16 = vector.shape_cast %get3A_15 : vector<16xf32> to vector<16xf32>
    %get3A_17 = arith.constant 80 : index
    %get3A_18 = tpu.vector_load %arg6[%get3A_17] {strides = array<i32>} : memref<256xf32, #tpu.memory_space<vmem>>, vector<16xf32>,
    %get3A_19 = vector.shape_cast %get3A_18 : vector<16xf32> to vector<16xf32>
    %get3A_20 = arith.constant 96 : index
    %get3A_21 = tpu.vector_load %arg6[%get3A_20] {strides = array<i32>} : memref<256xf32, #tpu.memory_space<vmem>>, vector<16xf32>,
    %get3A_22 = vector.shape_cast %get3A_21 : vector<16xf32> to vector<16xf32>
    %get3A_23 = arith.constant 112 : index
    %get3A_24 = tpu.vector_load %arg6[%get3A_23] {strides = array<i32>} : memref<256xf32, #tpu.memory_space<vmem>>, vector<16xf32>,
    %get3A_25 = vector.shape_cast %get3A_24 : vector<16xf32> to vector<16xf32>
    %get3A_26 = arith.constant 128 : index
    %get3A_27 = tpu.vector_load %arg6[%get3A_26] {strides = array<i32>} : memref<256xf32, #tpu.memory_space<vmem>>, vector<16xf32>,
    %get3A_28 = vector.shape_cast %get3A_27 : vector<16xf32> to vector<16xf32>
    %get3A_29 = arith.constant 144 : index
    %get3A_30 = tpu.vector_load %arg6[%get3A_29] {strides = array<i32>} : memref<256xf32, #tpu.memory_space<vmem>>, vector<16xf32>,
    %get3A_31 = vector.shape_cast %get3A_30 : vector<16xf32> to vector<16xf32>
    %get3A_32 = arith.constant 160 : index
    %get3A_33 = tpu.vector_load %arg6[%get3A_32] {strides = array<i32>} : memref<256xf32, #tpu.memory_space<vmem>>, vector<16xf32>,
    %get3A_34 = vector.shape_cast %get3A_33 : vector<16xf32> to vector<16xf32>
    %get3A_35 = arith.constant 176 : index
    %get3A_36 = tpu.vector_load %arg6[%get3A_35] {strides = array<i32>} : memref<256xf32, #tpu.memory_space<vmem>>, vector<16xf32>,
    %get3A_37 = vector.shape_cast %get3A_36 : vector<16xf32> to vector<16xf32>
    %get3A_38 = arith.constant 192 : index
    %get3A_39 = tpu.vector_load %arg6[%get3A_38] {strides = array<i32>} : memref<256xf32, #tpu.memory_space<vmem>>, vector<16xf32>,
    %get3A_40 = vector.shape_cast %get3A_39 : vector<16xf32> to vector<16xf32>
    %get3A_41 = arith.constant 208 : index
    %get3A_42 = tpu.vector_load %arg6[%get3A_41] {strides = array<i32>} : memref<256xf32, #tpu.memory_space<vmem>>, vector<16xf32>,
    %get3A_43 = vector.shape_cast %get3A_42 : vector<16xf32> to vector<16xf32>
    %get3A_44 = arith.constant 224 : index
    %get3A_45 = tpu.vector_load %arg6[%get3A_44] {strides = array<i32>} : memref<256xf32, #tpu.memory_space<vmem>>, vector<16xf32>,
    %get3A_46 = vector.shape_cast %get3A_45 : vector<16xf32> to vector<16xf32>
    %get3A_47 = arith.constant 240 : index
    %get3A_48 = tpu.vector_load %arg6[%get3A_47] {strides = array<i32>} : memref<256xf32, #tpu.memory_space<vmem>>, vector<16xf32>,
    %get3A_49 = vector.shape_cast %get3A_48 : vector<16xf32> to vector<16xf32>
    %iota3A = tpu.iota {dimensions = array<i32: 0>} : vector<16xi32>
    %broadcast_in_dim3A = arith.constant 0.000000e+00 : f32
    %broadcast_in_dim3A_50 = vector.broadcast %broadcast_in_dim3A : f32 to vector<16xf32>
    %add3A_51 = arith.addf %broadcast_in_dim3A_50, %get3A_4 : vector<16xf32>
    %swap3A = arith.constant 0 : index
    %swap3A_52 = tpu.vector_load %arg9[%swap3A] {strides = array<i32>} : memref<16xf32, #tpu.memory_space<vmem>>, vector<16xf32>,
    %swap3A_53 = vector.shape_cast %swap3A_52 : vector<16xf32> to vector<16xf32>
    %swap3A_54 = vector.shape_cast %add3A_51 : vector<16xf32> to vector<16xf32>
    tpu.vector_store %arg9[%swap3A], %swap3A_54 {strides = array<i32>} : memref<16xf32, #tpu.memory_space<vmem>>, vector<16xf32>,
    %swap3A_55 = arith.constant 0 : index
    %swap3A_56 = tpu.vector_load %arg10[%swap3A_55] {strides = array<i32>} : memref<16xi32, #tpu.memory_space<vmem>>, vector<16xi32>,
    %swap3A_57 = vector.shape_cast %swap3A_56 : vector<16xi32> to vector<16xi32>
    %swap3A_58 = vector.shape_cast %iota3A : vector<16xi32> to vector<16xi32>
    tpu.vector_store %arg10[%swap3A_55], %swap3A_58 {strides = array<i32>} : memref<16xi32, #tpu.memory_space<vmem>>, vector<16xi32>,
    "tpu.region"() ({
      %run_scoped3A = tpu.sem_alloc : memref<!tpu.dma_semaphore, #tpu.memory_space<semaphore_mem>>
      %dma_start3A = arith.constant 0 : i32
      %dma_start3A_59 = tpu.memref_slice %arg4[%add3A, %dma_start3A] : memref<32x16xf32, #tpu.memory_space<hbm>> -> memref<1x16xf32, #tpu.memory_space<hbm>>
      %dma_start3A_60 = tpu.memref_squeeze %dma_start3A_59 : memref<1x16xf32, #tpu.memory_space<hbm>> -> memref<16xf32, #tpu.memory_space<hbm>>
      %dma_start3A_61 = arith.constant 0 : i32
      %dma_start3A_62 = tpu.memref_slice %arg4[%add3A, %dma_start3A_61] : memref<32x16xf32, #tpu.memory_space<hbm>> -> memref<1x16xf32, #tpu.memory_space<hbm>>
      %dma_start3A_63 = tpu.memref_squeeze %dma_start3A_62 : memref<1x16xf32, #tpu.memory_space<hbm>> -> memref<16xf32, #tpu.memory_space<hbm>>
      tpu.enqueue_dma source(%arg9 : memref<16xf32, #tpu.memory_space<vmem>>) target(%dma_start3A_63 : memref<16xf32, #tpu.memory_space<hbm>>) target_semaphore(%run_scoped3A : memref<!tpu.dma_semaphore, #tpu.memory_space<semaphore_mem>>)
      %dma_wait3A = arith.constant 0 : i32
      %dma_wait3A_64 = tpu.memref_slice %arg4[%add3A, %dma_wait3A] : memref<32x16xf32, #tpu.memory_space<hbm>> -> memref<1x16xf32, #tpu.memory_space<hbm>>
      %dma_wait3A_65 = tpu.memref_squeeze %dma_wait3A_64 : memref<1x16xf32, #tpu.memory_space<hbm>> -> memref<16xf32, #tpu.memory_space<hbm>>
      %dma_wait3A_66 = arith.constant 0 : i32
      %dma_wait3A_67 = tpu.memref_slice %arg4[%add3A, %dma_wait3A_66] : memref<32x16xf32, #tpu.memory_space<hbm>> -> memref<1x16xf32, #tpu.memory_space<hbm>>
      %dma_wait3A_68 = tpu.memref_squeeze %dma_wait3A_67 : memref<1x16xf32, #tpu.memory_space<hbm>> -> memref<16xf32, #tpu.memory_space<hbm>>
      tpu.wait_dma2 semaphore(%run_scoped3A : memref<!tpu.dma_semaphore, #tpu.memory_space<semaphore_mem>>) src(%arg9 : memref<16xf32, #tpu.memory_space<vmem>>) dst(%dma_wait3A_68 : memref<16xf32, #tpu.memory_space<hbm>>)
      tpu.yield
    }) : () -> ()
    "tpu.region"() ({
      %run_scoped3A = tpu.sem_alloc : memref<!tpu.dma_semaphore, #tpu.memory_space<semaphore_mem>>
      %dma_start3A = arith.constant 0 : i32
      %dma_start3A_59 = tpu.memref_slice %arg5[%add3A, %dma_start3A] : memref<32x16xi32, #tpu.memory_space<hbm>> -> memref<1x16xi32, #tpu.memory_space<hbm>>
      %dma_start3A_60 = tpu.memref_squeeze %dma_start3A_59 : memref<1x16xi32, #tpu.memory_space<hbm>> -> memref<16xi32, #tpu.memory_space<hbm>>
      %dma_start3A_61 = arith.constant 0 : i32
      %dma_start3A_62 = tpu.memref_slice %arg5[%add3A, %dma_start3A_61] : memref<32x16xi32, #tpu.memory_space<hbm>> -> memref<1x16xi32, #tpu.memory_space<hbm>>
      %dma_start3A_63 = tpu.memref_squeeze %dma_start3A_62 : memref<1x16xi32, #tpu.memory_space<hbm>> -> memref<16xi32, #tpu.memory_space<hbm>>
      tpu.enqueue_dma source(%arg10 : memref<16xi32, #tpu.memory_space<vmem>>) target(%dma_start3A_63 : memref<16xi32, #tpu.memory_space<hbm>>) target_semaphore(%run_scoped3A : memref<!tpu.dma_semaphore, #tpu.memory_space<semaphore_mem>>)
      %dma_wait3A = arith.constant 0 : i32
      %dma_wait3A_64 = tpu.memref_slice %arg5[%add3A, %dma_wait3A] : memref<32x16xi32, #tpu.memory_space<hbm>> -> memref<1x16xi32, #tpu.memory_space<hbm>>
      %dma_wait3A_65 = tpu.memref_squeeze %dma_wait3A_64 : memref<1x16xi32, #tpu.memory_space<hbm>> -> memref<16xi32, #tpu.memory_space<hbm>>
      %dma_wait3A_66 = arith.constant 0 : i32
      %dma_wait3A_67 = tpu.memref_slice %arg5[%add3A, %dma_wait3A_66] : memref<32x16xi32, #tpu.memory_space<hbm>> -> memref<1x16xi32, #tpu.memory_space<hbm>>
      %dma_wait3A_68 = tpu.memref_squeeze %dma_wait3A_67 : memref<1x16xi32, #tpu.memory_space<hbm>> -> memref<16xi32, #tpu.memory_space<hbm>>
      tpu.wait_dma2 semaphore(%run_scoped3A : memref<!tpu.dma_semaphore, #tpu.memory_space<semaphore_mem>>) src(%arg10 : memref<16xi32, #tpu.memory_space<vmem>>) dst(%dma_wait3A_68 : memref<16xi32, #tpu.memory_space<hbm>>)
      tpu.yield
    }) : () -> ()
    return
  }
}

module attributes {stable_mosaic.version = 14 : i64} {
  func.func @_merge_body(%arg0: memref<32x16xf32, #tpu.memory_space<vmem>>, %arg1: memref<32x16xi32, #tpu.memory_space<vmem>>, %arg2: memref<1xi32, #tpu.memory_space<smem>>) attributes {dimension_semantics = [], scalar_prefetch = 0 : i64, scratch_operands = 0 : i64, tpu.core_type = #tpu.core_type<tc>} {
    %get3A = arith.constant 0 : index
    %get3A_0 = arith.constant 0 : index
    %get3A_1 = vector.load %arg0[%get3A, %get3A_0] : memref<32x16xf32, #tpu.memory_space<vmem>>, vector<32x16xf32>
    %get3A_2 = arith.constant 0 : index
    %get3A_3 = arith.constant 0 : index
    %get3A_4 = vector.load %arg1[%get3A_2, %get3A_3] : memref<32x16xi32, #tpu.memory_space<vmem>>, vector<32x16xi32>
    %reduce_min3A = vector.shape_cast %get3A_1 : vector<32x16xf32> to vector<1x32x16xf32>
    %reduce_min3A_5 = arith.constant dense<0x7F800000> : vector<1xf32>
    %reduce_min3A_6 = vector.multi_reduction <minimumf>, %reduce_min3A, %reduce_min3A_5 [1, 2] : vector<1x32x16xf32> to vector<1xf32>
    %reduce_min3A_7 = vector.shape_cast %reduce_min3A_6 : vector<1xf32> to vector<1x1x1xf32>
    %reduce_min3A_8 = vector.extract %reduce_min3A_7[0, 0, 0] : f32 from vector<1x1x1xf32>
    %eq3A = vector.broadcast %reduce_min3A_8 : f32 to vector<32x16xf32>
    %eq3A_9 = arith.cmpf oeq, %get3A_1, %eq3A : vector<32x16xf32>
    %jit3A = arith.constant 2147483647 : i32
    %broadcast_in_dim3A = vector.broadcast %jit3A : i32 to vector<32x16xi32>
    %select_n3A = arith.select %eq3A_9, %get3A_4, %broadcast_in_dim3A : vector<32x16xi1>, vector<32x16xi32>
    %reduce_min3A_10 = vector.shape_cast %select_n3A : vector<32x16xi32> to vector<1x32x16xi32>
    %reduce_min3A_11 = arith.constant dense<2147483647> : vector<1xi32>
    %reduce_min3A_12 = vector.multi_reduction <minsi>, %reduce_min3A_10, %reduce_min3A_11 [1, 2] : vector<1x32x16xi32> to vector<1xi32>
    %reduce_min3A_13 = vector.shape_cast %reduce_min3A_12 : vector<1xi32> to vector<1x1x1xi32>
    %reduce_min3A_14 = vector.extract %reduce_min3A_13[0, 0, 0] : i32 from vector<1x1x1xi32>
    %swap3A = arith.constant 0 : index
    %swap3A_15 = memref.load %arg2[%swap3A] : memref<1xi32, #tpu.memory_space<smem>>
    memref.store %reduce_min3A_14, %arg2[%swap3A] : memref<1xi32, #tpu.memory_space<smem>>
    return
  }
}

</mosaic_0001>

<sc_bundles>
// kernel: kernel.4.cloned.1.call-start
scs
__scs_entry_jumppad:
0x0: {  	(pc) =	sbr.rel $0x88, $3  }
0x1: {  	(tag) =	ssettag $0x0;
	lr =	simm.s32 $0x1  }
0x2: {  	[smem:$0x3F9F] =	sst lr;
	_ =	strace $0xD0000000  }
0x3: {  	_ = 	snop  }
0x4: {  	_ = 	snop  }
0x5: {  	_ = 	snop  }
0x6: {  	_ = 	snop  }
0x7: {  	_ = 	snop  }
__scs_overlays_trampoline_lowered:
0x8: {  	[smem:$0x3FAE] =	sst s0  }
0x9: {  	[smem:$0x3FAF] =	sst s1  }
0xa: {  	[smem:$0x3FB0] =	sst s2  }
0xb: {  	[smem:$0x3FB1] =	sst s3  }
0xc: {  	[smem:$0x3FB2] =	sst s4  }
0xd: {  	[smem:$0x3FB3] =	sst s5  }
0xe: {  	[smem:$0x3FB4] =	sst s6  }
0xf: {  	[smem:$0x3FB5] =	sst s7  }
0x10: {  	[smem:$0x3FB6] =	sst s8  }
0x11: {  	[smem:$0x3FB7] =	sst s9;
	s0 =	simm.s32 @!p0 $0x0  }
0x12: {  	s1 =	sld [smem:$0x3F9D];
	s0 =	simm.s32 @p0 $0x1  }
0x13: {  	[smem:$0x3FB8] =	sst s0;
	s0 =	simm.s32 @!p1 $0x0  }
0x14: {  	s2 =	sld [smem:$0x3F9C];
	s0 =	simm.s32 @p1 $0x1  }
0x15: {  	[smem:$0x3FB9] =	sst s0;
	s0 =	simm.s32 @!p2 $0x0  }
0x16: {  	s3 =	sld [smem:$0x3FDB];
	s0 =	simm.s32 @p2 $0x1  }
0x17: {  	s4 =	simm.s32 $0x1BF5;
	[smem:$0x3FBB] =	sst s0  }
0x18: {  	s0 =	sld [smem:$0x3F9E];
	_ =	swait.ge [sflag:s4], $0x0  }
0x19: {  	s7 =	sld [smem:$0x3F9F]  }
0x1a: {  	s8 =	sadd.s32 $0xFFFFE003, lr  }
0x1b: {  	s9 =	sadd.s32 $0xFFFFFEF7, lr;
	s5 =	simm.s32 $0xFFFFFFFF;
	p2 =	slt.u32 s8, $0xFFFFF086  }
0x1c: {  	p1 =	slt.u32 s9, $0xF7A;
	s5 =	simm.s32 @!p2 $0x0  }
0x1d: {  	s5 =	simm.s32 @p1 $0x1;
	p0 =	seq.s32 s7, s2  }
0x1e: {  	s7 =	smul.u32 @!p0 $0xF7A, s2;
	p2 =	seq.s32 @!p0 s5, $0x0  }
0x1f: {  	s9 =	smul.u32 $0xF7A, s1;
	s8 =	simm.s32 @!p0 $0x1BF5;
	p2 =	por !p2, p0  }
0x20: {  	[sflag:s8] =	ssyncset.s32 @!p0 $0xFFFFF086;
	s6 =	sadd.s32 @!p0 s3, s7;
	s7 =	simm.s32 @!p0 $0x108  }
0x21: {  	s3 =	sadd.s32 s3, s9;
	s6 =	sadd.s32 @!p0 $0x88, s6;
	s7 =	simm.s32 @p2 $0x1082  }
0x22: {  	[simem:s7], [sflag:s8] =	dma.local @!p0 [hbm:s6], $0xF7A  }
0x23: {  	s9 =	sor.u32 $0xD0000000, s2;
	s6 =	simm.s32 $0x108;
	_ =	swait.ge @!p0 [sflag:s8], $0x0  }
0x24: {  	s3 =	sadd.s32 $0x88, s3;
	s6 =	simm.s32 @!p1 $0x1082;
	[sflag:s4] =	ssyncset.s32 $0xFFFFF086  }
0x25: {  	[simem:s6], [sflag:s4] =	dma.local [hbm:s3], $0xF7A  }
0x26: {  	[smem:$0x3F9F] =	sst s1;
	(tag) =	ssettag s2;
	_ =	strace s9  }
0x27: {  	s1 =	sld [smem:$0x3FAF]  }
0x28: {  	s2 =	sld [smem:$0x3FB0]  }
0x29: {  	s4 =	sld [smem:$0x3FB2]  }
0x2a: {  	p0 =	seq.s32 s5, $0x0;
	s5 =	sld [smem:$0x3FB3]  }
0x2b: {  	s6 =	sld [smem:$0x3FB4]  }
0x2c: {  	s7 =	sld [smem:$0x3FB5]  }
0x2d: {  	s3 =	simm.s32 $0x108;
	s8 =	sld [smem:$0x3FB6]  }
0x2e: {  	s3 =	simm.s32 @!p0 $0x1082;
	s9 =	sld [smem:$0x3FB7]  }
0x2f: {  	lr =	sadd.s32 s0, s3;
	s0 =	sld [smem:$0x3FAE]  }
0x30: {  	s3 =	sld [smem:$0x3FB1]  }
0x31: {  	[smem:$0x3FBA] =	sst s10  }
0x32: {  	s10 =	sld [smem:$0x3FB8];
	_ =	sdelay $0x3  }
0x33: {  	p0 =	seq.s32 s10, $0x1;
	s10 =	sld [smem:$0x3FBA];
	_ =	sdelay $0x3  }
0x34: {  	[smem:$0x3FBA] =	sst s10  }
0x35: {  	s10 =	sld [smem:$0x3FB9];
	_ =	sdelay $0x3  }
0x36: {  	p1 =	seq.s32 s10, $0x1;
	s10 =	sld [smem:$0x3FBA];
	_ =	sdelay $0x3  }
0x37: {  	[smem:$0x3FBA] =	sst s10  }
0x38: {  	s10 =	sld [smem:$0x3FBB]  }
0x39: {  	_ = 	snop;
	(pc) =	sbr.ind lr, $3  }
0x3a: {  	_ = 	snop  }
0x3b: {  	_ = 	snop  }
0x3c: {  	p2 =	seq.s32 s10, $0x1;
	s10 =	sld [smem:$0x3FBA]  }
0x3d: {  	_ =	shalt  }
0x3e: {  	_ =	shalt  }
0x3f: {  	_ =	shalt  }
0x40: {  	_ =	shalt  }
0x41: {  	_ =	shalt  }
0x42: {  	_ =	shalt  }
0x43: {  	_ =	shalt  }
0x44: {  	_ =	shalt  }
0x45: {  	_ =	shalt  }
0x46: {  	_ =	shalt  }
0x47: {  	_ =	shalt  }
0x48: {  	_ =	shalt  }
0x49: {  	_ =	shalt  }
0x4a: {  	_ =	shalt  }
0x4b: {  	_ =	shalt  }
0x4c: {  	_ =	shalt  }
0x4d: {  	_ =	shalt  }
0x4e: {  	_ =	shalt  }
0x4f: {  	_ =	shalt  }
0x50: {  	_ =	shalt  }
0x51: {  	_ =	shalt  }
0x52: {  	_ =	shalt  }
0x53: {  	_ =	shalt  }
0x54: {  	_ =	shalt  }
0x55: {  	_ =	shalt  }
0x56: {  	_ =	shalt  }
0x57: {  	_ =	shalt  }
0x58: {  	_ =	shalt  }
0x59: {  	_ =	shalt  }
0x5a: {  	_ =	shalt  }
0x5b: {  	_ =	shalt  }
0x5c: {  	_ =	shalt  }
0x5d: {  	_ =	shalt  }
0x5e: {  	_ =	shalt  }
0x5f: {  	_ =	shalt  }
0x60: {  	_ =	shalt  }
0x61: {  	_ =	shalt  }
0x62: {  	_ =	shalt  }
0x63: {  	_ =	shalt  }
0x64: {  	_ =	shalt  }
0x65: {  	_ =	shalt  }
0x66: {  	_ =	shalt  }
0x67: {  	_ =	shalt  }
0x68: {  	_ =	shalt  }
0x69: {  	_ =	shalt  }
0x6a: {  	_ =	shalt  }
0x6b: {  	_ =	shalt  }
0x6c: {  	_ =	shalt  }
0x6d: {  	_ =	shalt  }
0x6e: {  	_ =	shalt  }
0x6f: {  	_ =	shalt  }
0x70: {  	_ =	shalt  }
0x71: {  	_ =	shalt  }
0x72: {  	_ =	shalt  }
0x73: {  	_ =	shalt  }
0x74: {  	_ =	shalt  }
0x75: {  	_ =	shalt  }
0x76: {  	_ =	shalt  }
0x77: {  	_ =	shalt  }
0x78: {  	_ =	shalt  }
0x79: {  	_ =	shalt  }
0x7a: {  	_ =	shalt  }
0x7b: {  	_ =	shalt  }
0x7c: {  	_ =	shalt  }
0x7d: {  	_ =	shalt  }
0x7e: {  	_ =	shalt  }
0x7f: {  	_ =	shalt  }
0x80: {  	_ =	shalt  }
0x81: {  	_ =	shalt  }
0x82: {  	_ =	shalt  }
0x83: {  	_ =	shalt  }
0x84: {  	_ =	shalt  }
0x85: {  	_ =	shalt  }
0x86: {  	_ =	shalt  }
0x87: {  	_ =	shalt  }
.Lfunc_end0:
.L_simem_size_0:
called_computation_lowered:
.L_overlay_start_0:
0x88: {  	s2 =	sld [smem:$0x3FD9]  }
0x89: {  	s3 =	sld [smem:$0x3FFE];
	_ =	sdelay $0x1  }
0x8a: {  	s1 =	srdreg.scid  }
0x8b: {  	s0 =	sand.u32 $0x1, s1  }
0x8c: {  	s17 =	sshll.u32 s0, $0xA;
	s2 =	sadd.s32 s3, s2  }
0x8d: {  	s2 =	sadd.s32 s2, s17  }
0x8e: {  	[smem:$0x3FC6] =	sst s2  }
0x8f: {  	_ = 	snop  }
0x90: {  	s2 =	sld [smem:$0x3FC9];
	(tm) =	ssettm $0x1  }
0x91: {  	s18 =	sld [smem:$0x3FFB];
	_ =	sdelay $0x3  }
0x92: {  	_ =	strace s18  }
0x93: {  	s3 =	sld [smem:$0x3FFC];
	_ =	sdelay $0x3  }
0x94: {  	_ =	strace s3  }
0x95: {  	s3 =	sld [smem:$0x3FFD];
	_ =	sdelay $0x3  }
0x96: {  	_ =	strace s3  }
0x97: {  	_ =	strace $0x8FFFFFFF  }
0x98: {  	s19 =	sld [smem:$0x3FDB];
	_ =	sdelay $0x1  }
0x99: {  	s4 =	simm.s32 $_scs_section_size  }
0x9a: {  	s5 =	simm.s32 $_size__tile_overlayer_lowered;
	s6 =	simm.s32 $_tile_overlayer_lowered  }
0x9b: {  	s22 =	simm.s32 $0x1BFF;
	s21 =	sshll.u32 s6, $0x1;
	s3 =	sadd.s32 s4, s19  }
0x9c: {  	s7 =	simm.s32 $0x0;
	s20 =	sshll.u32 s5, $0x1;
	s5 =	sadd.s32 s21, s3  }
0x9d: {  	[timem:s7], [sflag:s22] =	dma.local [hbm:s5], s20  }
0x9e: {  	_ =	swait.ge [sflag:s22], s20  }
0x9f: {  	s4 =	ssub.s32 $0x0, s20;
	[sflag:s22] =	ssyncset.done $0x0  }
0xa0: {  	[sflag:s22] =	ssyncadd.s32 s4;
	_ =	sdelay $0x1  }
0xa1: {  	s23 =	simm.s32 $0x1B8B  }
0xa2: {  	_ =	swait.ge [sflag:s23], $0x1  }
0xa3: {  	[sflag:s23] =	ssyncset.done $0x0  }
0xa4: {  	s25 =	simm.s32 $0x1B8E;
	s24 =	sld [smem:$0x3FFE];
	[sflag:s23] =	ssyncadd.s32 $0xFFFFFFFF  }
0xa5: {  	s26 =	simm.s32 $execute0_lowered;
	[smem:$0x3FD2] =	sst s25  }
0xa6: {  	s5 =	sshll.u32 s26, $0x1;
	_ =	strace $0x80000046;
	[dreg:$0x1] =	wrdreg $0xFFFFFFFF  }
0xa7: {  	s28 =	simm.s32 $_size_execute0_lowered;
	s3 =	sadd.s32 s3, s5;
	[dreg:$0x0] =	wrdreg $0x0  }
0xa8: {  	s5 =	sshll.u32 s28, $0x1;
	[dreg:$0x2] =	wrdreg s3  }
0xa9: {  	[dreg:$0x3] =	wrdreg s5  }
0xaa: {  	[dreg:$0x4] =	wrdreg $0xC0  }
0xab: {  	_ =	task [dreg:s7], $0x5FFFF  }
0xac: {  	[dreg:$0x1] =	wrdreg $0xFFFFFFFF  }
0xad: {  	[dreg:$0x0] =	wrdreg $0x60  }
0xae: {  	[dreg:$0x2] =	wrdreg s2  }
0xaf: {  	[dreg:$0x3] =	wrdreg s24  }
0xb0: {  	[dreg:$0x4] =	wrdreg $0x9  }
0xb1: {  	_ =	task.clear_ibuf [dreg:s7], $0x5FFFF;
	_ =	strace $0x90000046  }
0xb2: {  	s29 =	simm.s32 $0x9;
	_ =	strace $0x80000048  }
0xb3: {  	_ =	swait.ge [sflag:s29], $0x1  }
0xb4: {  	[sflag:s29] =	ssyncadd.s32 $0xFFFFFFFF  }
0xb5: {  	_ =	strace $0x90000048  }
0xb6: {  	_ =	sfence  }
0xb7: {  	s30 =	sld [smem:$0x0];
	_ =	sdelay $0x2  }
0xb8: {  	s31 =	sshll.u32 s1, $0xD;
	s1 =	sshrl.u32 s1, $0x2  }
0xb9: {  	s3 =	sand.u32 $0x4000, s31;
	s1 =	sadd.s32 s1, s30  }
0xba: {  	s0 =	sor.u32 s3, s0;
	s1 =	sshll.u32 s1, $0x11  }
0xbb: {  	s0 =	sor.u32 s1, s0  }
0xbc: {  	s0 =	sadd.s32 $0x8F2B, s0  }
0xbd: {  	[sflag:s0] =	ssyncadd.remote.s32 $0x1  }
0xbe: {  	_ =	sfence.sel $0xFFFF  }
0xbf: {  	[dreg:$0x0] =	wrdreg $0xFFFFFFFF;
	(pc) =	sbr.abs _section_cstart, $3  }
0xc0: {  	[dreg:$0x1] =	wrdreg $0xFFFFFFFF  }
0xc1: {  	_ =	task.clear_ibuf [dreg:s7], $0x2FFFF;
	_ =	strace $0x9FFFFFFF  }
0xc2: {  	(tm) =	ssettm $0x7FFFFFFF  }
0xc3: {  	_ =	shalt  }
tec
execute0_lowered:
.L_overlay_start_1:
0x0: {  	(tag) =	ssettag $0x1  }
0x1: {  	s1 =	rddreg [dreg:$0x0]  }
0x2: {  	s5 =	rddreg [dreg:$0x1];
	s2 =	simm.s32 $0x0  }
0x3: {  	[smem:$0x7FF] =	sst s2  }
0x4: {  	s0 =	rddreg [dreg:$0x2];
	s3 =	simm.s32 $0x1;
	_ =	strace $0x80000047  }
0x5: {  	[tilespmem:s2], [sflag:$0x1] =	stream.linear.gather [hbm4b:s1+s2], $0x100, $0x38;
	[tilespmem:$0x200] =	vst v63  }
0x6: {  	_ =	swait.ge [sflag:s3], $0x100  }
0x7: {  	[sflag:s3] =	ssyncset.done $0x0  }
0x8: {  	[sflag:s3] =	ssyncadd.s32 $0xFFFFFF00  }
0x9: {  	v1 =	vld [tilespmem:$0x0];
	_ =	sdelay $0x1  }
0xa: {  	s6 =	srdreg.scid  }
0xb: {  	s4 =	stileid.u32;
	s6 =	sand.u32 $0x1, s6  }
0xc: {  	s7 =	sshll.u32 s4, $0x5;
	s8 =	sshll.u32 s6, $0x4;
	s31 =	ssub.s32 $0x2, s6  }
0xd: {  	v0 =	vlaneseq.u32;
	s7 =	sor.u32 s8, s7;
	s9 =	sshrl.u32 s31, $0x1;
	v1 =	vadd.f32 $0.0e+00, v1  }
0xe: {  	s7 =	sadd.s32 s7, s5;
	s8 =	ssub.s32 s31, s9;
	[tilespmem:$0x180] =	vst v0  }
0xf: {  	s6 =	simm.s32 $0x100;
	s5 =	sadd.s32 $0xC00, s7;
	s9 =	smax.u32 s8, $0x1;
	[tilespmem:$0x100] =	vst v1  }
0x10: {  	[hbm4b:s5+s2] =	stream.linear.scatter [tilespmem:s6], [sflag:$0x1], $0x80, $0x38;
	[tilespmem:$0x200] =	vst v63  }
0x11: {  	p0 =	sne.s32 s9, $0x1;
	_ =	swait.ge [sflag:s3], $0x80  }
.Ltmp0:
0x12: {  	[sflag:s3] =	ssyncset.done $0x0;
	(pc) =	sbr.rel @!p0 .LBB2_2-.Ltmp0, $4  }
0x13: {  	s7 =	sadd.s32 $0xE00, s7;
	s8 =	simm.s32 $0x180;
	[sflag:s3] =	ssyncadd.s32 $0xFFFFFF80  }
0x14: {  	[hbm4b:s7+s2] =	stream.linear.scatter [tilespmem:s8], [sflag:$0x1], $0x80, $0x38;
	[tilespmem:$0x200] =	vst v63  }
0x15: {  	_ =	swait.ge [sflag:s3], $0x80  }
0x16: {  	s9 =	sadd.s32 $0xFFFFFFFF, s9;
	[sflag:s3] =	ssyncset.done $0x0  }
.LBB2_1:
0x17: {  	p0 =	sne.s32 s9, $0x1;
	s9 =	sadd.s32 $0xFFFFFFFF, s9;
	[sflag:s3] =	ssyncadd.s32 $0xFFFFFF80  }
0x18: {  	[tilespmem:s2], [sflag:$0x1] =	stream.linear.gather [hbm4b:s1+s2], $0x100, $0x38;
	[tilespmem:$0x200] =	vst v63  }
0x19: {  	_ =	swait.ge [sflag:s3], $0x100  }
0x1a: {  	[sflag:s3] =	ssyncset.done $0x0  }
0x1b: {  	[sflag:s3] =	ssyncadd.s32 $0xFFFFFF00  }
0x1c: {  	v1 =	vld [tilespmem:$0x0];
	[tilespmem:$0x180] =	vst v0;
	_ =	sdelay $0x4  }
0x1d: {  	v1 =	vadd.f32 $0.0e+00, v1;
	_ =	sdelay $0x1  }
0x1e: {  	[tilespmem:$0x100] =	vst v1  }
0x1f: {  	[hbm4b:s5+s2] =	stream.linear.scatter [tilespmem:s6], [sflag:$0x1], $0x80, $0x38;
	[tilespmem:$0x200] =	vst v63  }
0x20: {  	_ =	swait.ge [sflag:s3], $0x80  }
.Ltmp1:
0x21: {  	[sflag:s3] =	ssyncset.done $0x0;
	(pc) =	sbr.rel @p0 .LBB2_1-.Ltmp1, $4  }
0x22: {  	[sflag:s3] =	ssyncadd.s32 $0xFFFFFF80  }
0x23: {  	[hbm4b:s7+s2] =	stream.linear.scatter [tilespmem:s8], [sflag:$0x1], $0x80, $0x38;
	[tilespmem:$0x200] =	vst v63  }
0x24: {  	_ =	swait.ge [sflag:s3], $0x80  }
0x25: {  	[sflag:s3] =	ssyncset.done $0x0  }
.LBB2_2:
0x26: {  	[sflag:s3] =	ssyncadd.s32 $0xFFFFFF80  }
0x27: {  	_ =	sfence.sel $0x180000  }
0x28: {  	[bflag:$0x0] =	sbarrier.arrive $0xFFFF  }
0x29: {  	p0 =	sne.s32 s4, $0x0;
	_ =	strace $0x90000047  }
0x2a: {  	s0 =	sadd.s32 @!p0 $0x100000, s0;
	[bflag:$0x2] =	sbarrier.arrive $0xFFFF  }
0x2b: {  	[sflag:s0] =	ssyncadd.tile.s32 @!p0 $0x1;
	_ =	shalt  }
.Lfunc_end2:
_tile_overlayer_lowered:
.L_overlay_start_2:
0x2c: {  	(tag) =	ssettag $0x2  }
0x2d: {  	s0 =	rddreg [dreg:$0x0];
	s2 =	stileid.u32  }
0x2e: {  	s1 =	rddreg [dreg:$0x1];
	p0 =	sne.s32 s2, $0x0  }
0x2f: {  	s3 =	rddreg [dreg:$0x2];
	[bflag:$0x3] =	sbarrier.arrive $0xFFFF;
	s2 =	simm.s32 @!p0 $0x1C01  }
0x30: {  	[timem:s3], [sflag:s2] =	dma.local @!p0 [hbm:s0], s1  }
0x31: {  	s0 =	simm.s32 @!p0 $0x1  }
0x32: {  	_ =	swait.ge @!p0 [sflag:s0], s1  }
0x33: {  	s1 =	ssub.s32 @!p0 $0x0, s1;
	[sflag:s0] =	ssyncset.done @!p0 $0x0  }
0x34: {  	[sflag:s0] =	ssyncadd.s32 @!p0 s1  }
0x35: {  	[bflag:$0x3] =	sbarrier.arrive $0xFFFF  }
0x36: {  	_ =	shalt  }

</sc_bundles>
